<compile_context>
chip_gen: v7x
topology: tpu7x:2x2x1
jax: 0.10.2.dev20260603
libtpu: 0.0.44.dev20260713+nightly
codegen_flags: <defaults>
</compile_context>

<pallas_src>
import functools

import jax
import jax.numpy as jnp
from jax import lax
from jax.experimental import pallas as pl
from jax.experimental.pallas import tpu as pltpu
from jax.experimental.pallas import tpu_sc as plsc

_L = 16


def _one_lookup(idx, tab_t):
    B = idx.shape[0]
    D, V = tab_t.shape
    n_vec = B // _L
    mesh = plsc.VectorSubcoreMesh(core_axis_name="c", subcore_axis_name="s")
    info = plsc.get_sparse_core_info()

    @functools.partial(
        pl.kernel,
        mesh=mesh,
        compiler_params=pltpu.CompilerParams(
            use_tc_tiling_on_sc=False, needs_layout_passes=False),
        out_type=jax.ShapeDtypeStruct((D, B), jnp.int32),
        scratch_types=[
            pltpu.VMEM((B,), jnp.int32),
            pltpu.VMEM((V,), jnp.float32),
            pltpu.SemaphoreType.DMA,
            pltpu.SemaphoreType.DMA,
        ],
    )
    def body(idx_hbm, tab_hbm, out_hbm, iob_v, col_v, sem_i, sem_c):
        wid = lax.axis_index("s") * info.num_cores + lax.axis_index("c")
        ci = pltpu.async_copy(idx_hbm, iob_v, sem_i)
        cc = pltpu.async_copy(tab_hbm.at[wid], col_v, sem_c)
        ci.wait()
        cc.wait()

        @plsc.parallel_loop(0, n_vec, unroll=16)
        def gather_chunk(i):
            sl = pl.ds(i * _L, _L)
            iob_v[sl] = plsc.bitcast(
                plsc.load_gather(col_v, [iob_v[sl]]), jnp.int32)

        pltpu.sync_copy(iob_v, out_hbm.at[wid])

    return body(idx, tab_t)


@jax.jit
def _lookup(hair, eyes, hair_table, eye_table):
    ht = _one_lookup(hair, hair_table.T)
    et = _one_lookup(eyes, eye_table.T)
    ht = lax.bitcast_convert_type(ht, jnp.float32)
    et = lax.bitcast_convert_type(et, jnp.float32)
    return ht.T, et.T


def kernel(hair, eyes, hair_table, eye_table):
    return _lookup(hair, eyes, hair_table, eye_table)

# --- scband reference (transcript-rebuilt; emitter-appended) ---
"""Pipeline reference for scband-hair-eye-embedding-26912265076885 (READ-ONLY COPY).

The authoritative reference and input builder live on the scoring server;
editing this copy changes nothing except your own understanding.
"""

import jax, jax.numpy as jnp
import numpy as np

HAIR_DIM = 100000
EYES_DIM = 100000
EMBED_DIM = 32
BATCH = 16384


def setup_inputs(seed: int = 0) -> dict:
    key = jax.random.key(seed)
    k1, k2, k3, k4 = jax.random.split(key, 4)
    hair = jax.random.randint(k1, (BATCH,), 0, HAIR_DIM, dtype=jnp.int64 if jax.config.jax_enable_x64 else jnp.int32).astype(jnp.int32)
    eyes = jax.random.randint(k2, (BATCH,), 0, EYES_DIM, dtype=jnp.int64 if jax.config.jax_enable_x64 else jnp.int32).astype(jnp.int32)
    hair_table = jax.random.normal(k3, (HAIR_DIM, EMBED_DIM), dtype=jnp.float32)
    eye_table = jax.random.normal(k4, (EYES_DIM, EMBED_DIM), dtype=jnp.float32)
    return {"hair": hair, "eyes": eyes, "hair_table": hair_table, "eye_table": eye_table}


def reference(hair, eyes, hair_table, eye_table):
    # nn.Embedding lookup == row gather from the table
    hair_emb = jnp.take(hair_table, hair, axis=0)
    eye_emb = jnp.take(eye_table, eyes, axis=0)
    return (hair_emb, eye_emb)

if __name__ == "__main__":
    import jax
    _d = setup_inputs()
    print(jax.jit(kernel)(*tuple(_d.values())))

</pallas_src>

<mosaic_0001>
#map = affine_map<(d0, d1) -> (0)>
#map1 = affine_map<(d0, d1) -> (0, 0)>
module attributes {stable_mosaic.version = 14 : i64} {
  func.func @body(%arg0: i32, %arg1: i32, %arg2: memref<16384xi32, #tpu.memory_space<hbm>>, %arg3: memref<32x100000xf32, #tpu.memory_space<hbm>>, %arg4: memref<32x16384xi32, #tpu.memory_space<hbm>>, %arg5: memref<16384xi32, #tpu.memory_space<vmem>>, %arg6: memref<100000xf32, #tpu.memory_space<vmem>>, %arg7: memref<!tpu.dma_semaphore, #tpu.memory_space<semaphore_mem>>, %arg8: memref<!tpu.dma_semaphore, #tpu.memory_space<semaphore_mem>>) attributes {dimension_semantics = [#tpu.dimension_semantics<core_parallel>, #tpu.dimension_semantics<subcore_parallel>], iteration_bounds = array<i64: 2, 16>, scalar_prefetch = 0 : i64, scratch_operands = 4 : i64, tpu.core_type = #tpu.core_type<sc_vector_subcore>, window_params = [{transform_indices = #map}, {transform_indices = #map1}, {transform_indices = #map1}]} {
    %mul3A = arith.constant 2 : i32
    %mul3A_0 = arith.muli %arg1, %mul3A : i32
    %add3A = arith.addi %mul3A_0, %arg0 : i32
    tpu.enqueue_dma source(%arg2 : memref<16384xi32, #tpu.memory_space<hbm>>) target(%arg5 : memref<16384xi32, #tpu.memory_space<vmem>>) target_semaphore(%arg7 : memref<!tpu.dma_semaphore, #tpu.memory_space<semaphore_mem>>)
    %dma_start3A = arith.constant 0 : i32
    %dma_start3A_1 = tpu.memref_slice %arg3[%add3A, %dma_start3A] : memref<32x100000xf32, #tpu.memory_space<hbm>> -> memref<1x100000xf32, #tpu.memory_space<hbm>>
    %dma_start3A_2 = tpu.memref_squeeze %dma_start3A_1 : memref<1x100000xf32, #tpu.memory_space<hbm>> -> memref<100000xf32, #tpu.memory_space<hbm>>
    %dma_start3A_3 = arith.constant 0 : i32
    %dma_start3A_4 = tpu.memref_slice %arg3[%add3A, %dma_start3A_3] : memref<32x100000xf32, #tpu.memory_space<hbm>> -> memref<1x100000xf32, #tpu.memory_space<hbm>>
    %dma_start3A_5 = tpu.memref_squeeze %dma_start3A_4 : memref<1x100000xf32, #tpu.memory_space<hbm>> -> memref<100000xf32, #tpu.memory_space<hbm>>
    tpu.enqueue_dma source(%dma_start3A_5 : memref<100000xf32, #tpu.memory_space<hbm>>) target(%arg6 : memref<100000xf32, #tpu.memory_space<vmem>>) target_semaphore(%arg8 : memref<!tpu.dma_semaphore, #tpu.memory_space<semaphore_mem>>)
    tpu.wait_dma2 semaphore(%arg7 : memref<!tpu.dma_semaphore, #tpu.memory_space<semaphore_mem>>) src(%arg2 : memref<16384xi32, #tpu.memory_space<hbm>>) dst(%arg5 : memref<16384xi32, #tpu.memory_space<vmem>>)
    %dma_wait3A = arith.constant 0 : i32
    %dma_wait3A_6 = tpu.memref_slice %arg3[%add3A, %dma_wait3A] : memref<32x100000xf32, #tpu.memory_space<hbm>> -> memref<1x100000xf32, #tpu.memory_space<hbm>>
    %dma_wait3A_7 = tpu.memref_squeeze %dma_wait3A_6 : memref<1x100000xf32, #tpu.memory_space<hbm>> -> memref<100000xf32, #tpu.memory_space<hbm>>
    %dma_wait3A_8 = arith.constant 0 : i32
    %dma_wait3A_9 = tpu.memref_slice %arg3[%add3A, %dma_wait3A_8] : memref<32x100000xf32, #tpu.memory_space<hbm>> -> memref<1x100000xf32, #tpu.memory_space<hbm>>
    %dma_wait3A_10 = tpu.memref_squeeze %dma_wait3A_9 : memref<1x100000xf32, #tpu.memory_space<hbm>> -> memref<100000xf32, #tpu.memory_space<hbm>>
    tpu.wait_dma2 semaphore(%arg8 : memref<!tpu.dma_semaphore, #tpu.memory_space<semaphore_mem>>) src(%dma_wait3A_10 : memref<100000xf32, #tpu.memory_space<hbm>>) dst(%arg6 : memref<100000xf32, #tpu.memory_space<vmem>>)
    %parallel_loop3A = arith.constant 0 : i32
    %parallel_loop3A_11 = arith.constant 1024 : i32
    %parallel_loop3A_12 = arith.constant 1 : i32
    scf.for %parallel_loop3A_13 = %parallel_loop3A to %parallel_loop3A_11 step %parallel_loop3A_12  : i32 {
      %parallel_loop3A_14 = arith.constant 16 : i32
      %parallel_loop3A_15 = arith.muli %parallel_loop3A_13, %parallel_loop3A_14 : i32
      %parallel_loop3A_16 = arith.index_cast %parallel_loop3A_15 : i32 to index
      %parallel_loop3A_17 = tpu.vector_load %arg5[%parallel_loop3A_16] {strides = array<i32>} : memref<16384xi32, #tpu.memory_space<vmem>>, vector<16xi32>,
      %parallel_loop3A_18 = tpu.vector_load_idx %arg6[%parallel_loop3A_17] : memref<100000xf32, #tpu.memory_space<vmem>>[vector<16xi32>], vector<16xf32>,
      %parallel_loop3A_19 = vector.bitcast %parallel_loop3A_18 : vector<16xf32> to vector<16xi32>
      %parallel_loop3A_20 = arith.index_cast %parallel_loop3A_15 : i32 to index
      %parallel_loop3A_21 = tpu.vector_load %arg5[%parallel_loop3A_20] {strides = array<i32>} : memref<16384xi32, #tpu.memory_space<vmem>>, vector<16xi32>,
      tpu.vector_store %arg5[%parallel_loop3A_20], %parallel_loop3A_19 {strides = array<i32>} : memref<16384xi32, #tpu.memory_space<vmem>>, vector<16xi32>,
    } {sc.loop_unroll_factor = 16 : i64, sc.parallel_access}
    "tpu.region"() ({
      %run_scoped3A = tpu.sem_alloc : memref<!tpu.dma_semaphore, #tpu.memory_space<semaphore_mem>>
      %dma_start3A_13 = arith.constant 0 : i32
      %dma_start3A_14 = tpu.memref_slice %arg4[%add3A, %dma_start3A_13] : memref<32x16384xi32, #tpu.memory_space<hbm>> -> memref<1x16384xi32, #tpu.memory_space<hbm>>
      %dma_start3A_15 = tpu.memref_squeeze %dma_start3A_14 : memref<1x16384xi32, #tpu.memory_space<hbm>> -> memref<16384xi32, #tpu.memory_space<hbm>>
      %dma_start3A_16 = arith.constant 0 : i32
      %dma_start3A_17 = tpu.memref_slice %arg4[%add3A, %dma_start3A_16] : memref<32x16384xi32, #tpu.memory_space<hbm>> -> memref<1x16384xi32, #tpu.memory_space<hbm>>
      %dma_start3A_18 = tpu.memref_squeeze %dma_start3A_17 : memref<1x16384xi32, #tpu.memory_space<hbm>> -> memref<16384xi32, #tpu.memory_space<hbm>>
      tpu.enqueue_dma source(%arg5 : memref<16384xi32, #tpu.memory_space<vmem>>) target(%dma_start3A_18 : memref<16384xi32, #tpu.memory_space<hbm>>) target_semaphore(%run_scoped3A : memref<!tpu.dma_semaphore, #tpu.memory_space<semaphore_mem>>)
      %dma_wait3A_19 = arith.constant 0 : i32
      %dma_wait3A_20 = tpu.memref_slice %arg4[%add3A, %dma_wait3A_19] : memref<32x16384xi32, #tpu.memory_space<hbm>> -> memref<1x16384xi32, #tpu.memory_space<hbm>>
      %dma_wait3A_21 = tpu.memref_squeeze %dma_wait3A_20 : memref<1x16384xi32, #tpu.memory_space<hbm>> -> memref<16384xi32, #tpu.memory_space<hbm>>
      %dma_wait3A_22 = arith.constant 0 : i32
      %dma_wait3A_23 = tpu.memref_slice %arg4[%add3A, %dma_wait3A_22] : memref<32x16384xi32, #tpu.memory_space<hbm>> -> memref<1x16384xi32, #tpu.memory_space<hbm>>
      %dma_wait3A_24 = tpu.memref_squeeze %dma_wait3A_23 : memref<1x16384xi32, #tpu.memory_space<hbm>> -> memref<16384xi32, #tpu.memory_space<hbm>>
      tpu.wait_dma2 semaphore(%run_scoped3A : memref<!tpu.dma_semaphore, #tpu.memory_space<semaphore_mem>>) src(%arg5 : memref<16384xi32, #tpu.memory_space<vmem>>) dst(%dma_wait3A_24 : memref<16384xi32, #tpu.memory_space<hbm>>)
      tpu.yield
    }) : () -> ()
    return
  }
}

#map = affine_map<(d0, d1) -> (0)>
#map1 = affine_map<(d0, d1) -> (0, 0)>
module attributes {stable_mosaic.version = 14 : i64} {
  func.func @body(%arg0: i32, %arg1: i32, %arg2: memref<16384xi32, #tpu.memory_space<hbm>>, %arg3: memref<32x100000xf32, #tpu.memory_space<hbm>>, %arg4: memref<32x16384xi32, #tpu.memory_space<hbm>>, %arg5: memref<16384xi32, #tpu.memory_space<vmem>>, %arg6: memref<100000xf32, #tpu.memory_space<vmem>>, %arg7: memref<!tpu.dma_semaphore, #tpu.memory_space<semaphore_mem>>, %arg8: memref<!tpu.dma_semaphore, #tpu.memory_space<semaphore_mem>>) attributes {dimension_semantics = [#tpu.dimension_semantics<core_parallel>, #tpu.dimension_semantics<subcore_parallel>], iteration_bounds = array<i64: 2, 16>, scalar_prefetch = 0 : i64, scratch_operands = 4 : i64, tpu.core_type = #tpu.core_type<sc_vector_subcore>, window_params = [{transform_indices = #map}, {transform_indices = #map1}, {transform_indices = #map1}]} {
    %mul3A = arith.constant 2 : i32
    %mul3A_0 = arith.muli %arg1, %mul3A : i32
    %add3A = arith.addi %mul3A_0, %arg0 : i32
    tpu.enqueue_dma source(%arg2 : memref<16384xi32, #tpu.memory_space<hbm>>) target(%arg5 : memref<16384xi32, #tpu.memory_space<vmem>>) target_semaphore(%arg7 : memref<!tpu.dma_semaphore, #tpu.memory_space<semaphore_mem>>)
    %dma_start3A = arith.constant 0 : i32
    %dma_start3A_1 = tpu.memref_slice %arg3[%add3A, %dma_start3A] : memref<32x100000xf32, #tpu.memory_space<hbm>> -> memref<1x100000xf32, #tpu.memory_space<hbm>>
    %dma_start3A_2 = tpu.memref_squeeze %dma_start3A_1 : memref<1x100000xf32, #tpu.memory_space<hbm>> -> memref<100000xf32, #tpu.memory_space<hbm>>
    %dma_start3A_3 = arith.constant 0 : i32
    %dma_start3A_4 = tpu.memref_slice %arg3[%add3A, %dma_start3A_3] : memref<32x100000xf32, #tpu.memory_space<hbm>> -> memref<1x100000xf32, #tpu.memory_space<hbm>>
    %dma_start3A_5 = tpu.memref_squeeze %dma_start3A_4 : memref<1x100000xf32, #tpu.memory_space<hbm>> -> memref<100000xf32, #tpu.memory_space<hbm>>
    tpu.enqueue_dma source(%dma_start3A_5 : memref<100000xf32, #tpu.memory_space<hbm>>) target(%arg6 : memref<100000xf32, #tpu.memory_space<vmem>>) target_semaphore(%arg8 : memref<!tpu.dma_semaphore, #tpu.memory_space<semaphore_mem>>)
    tpu.wait_dma2 semaphore(%arg7 : memref<!tpu.dma_semaphore, #tpu.memory_space<semaphore_mem>>) src(%arg2 : memref<16384xi32, #tpu.memory_space<hbm>>) dst(%arg5 : memref<16384xi32, #tpu.memory_space<vmem>>)
    %dma_wait3A = arith.constant 0 : i32
    %dma_wait3A_6 = tpu.memref_slice %arg3[%add3A, %dma_wait3A] : memref<32x100000xf32, #tpu.memory_space<hbm>> -> memref<1x100000xf32, #tpu.memory_space<hbm>>
    %dma_wait3A_7 = tpu.memref_squeeze %dma_wait3A_6 : memref<1x100000xf32, #tpu.memory_space<hbm>> -> memref<100000xf32, #tpu.memory_space<hbm>>
    %dma_wait3A_8 = arith.constant 0 : i32
    %dma_wait3A_9 = tpu.memref_slice %arg3[%add3A, %dma_wait3A_8] : memref<32x100000xf32, #tpu.memory_space<hbm>> -> memref<1x100000xf32, #tpu.memory_space<hbm>>
    %dma_wait3A_10 = tpu.memref_squeeze %dma_wait3A_9 : memref<1x100000xf32, #tpu.memory_space<hbm>> -> memref<100000xf32, #tpu.memory_space<hbm>>
    tpu.wait_dma2 semaphore(%arg8 : memref<!tpu.dma_semaphore, #tpu.memory_space<semaphore_mem>>) src(%dma_wait3A_10 : memref<100000xf32, #tpu.memory_space<hbm>>) dst(%arg6 : memref<100000xf32, #tpu.memory_space<vmem>>)
    %parallel_loop3A = arith.constant 0 : i32
    %parallel_loop3A_11 = arith.constant 1024 : i32
    %parallel_loop3A_12 = arith.constant 1 : i32
    scf.for %parallel_loop3A_13 = %parallel_loop3A to %parallel_loop3A_11 step %parallel_loop3A_12  : i32 {
      %parallel_loop3A_14 = arith.constant 16 : i32
      %parallel_loop3A_15 = arith.muli %parallel_loop3A_13, %parallel_loop3A_14 : i32
      %parallel_loop3A_16 = arith.index_cast %parallel_loop3A_15 : i32 to index
      %parallel_loop3A_17 = tpu.vector_load %arg5[%parallel_loop3A_16] {strides = array<i32>} : memref<16384xi32, #tpu.memory_space<vmem>>, vector<16xi32>,
      %parallel_loop3A_18 = tpu.vector_load_idx %arg6[%parallel_loop3A_17] : memref<100000xf32, #tpu.memory_space<vmem>>[vector<16xi32>], vector<16xf32>,
      %parallel_loop3A_19 = vector.bitcast %parallel_loop3A_18 : vector<16xf32> to vector<16xi32>
      %parallel_loop3A_20 = arith.index_cast %parallel_loop3A_15 : i32 to index
      %parallel_loop3A_21 = tpu.vector_load %arg5[%parallel_loop3A_20] {strides = array<i32>} : memref<16384xi32, #tpu.memory_space<vmem>>, vector<16xi32>,
      tpu.vector_store %arg5[%parallel_loop3A_20], %parallel_loop3A_19 {strides = array<i32>} : memref<16384xi32, #tpu.memory_space<vmem>>, vector<16xi32>,
    } {sc.loop_unroll_factor = 16 : i64, sc.parallel_access}
    "tpu.region"() ({
      %run_scoped3A = tpu.sem_alloc : memref<!tpu.dma_semaphore, #tpu.memory_space<semaphore_mem>>
      %dma_start3A_13 = arith.constant 0 : i32
      %dma_start3A_14 = tpu.memref_slice %arg4[%add3A, %dma_start3A_13] : memref<32x16384xi32, #tpu.memory_space<hbm>> -> memref<1x16384xi32, #tpu.memory_space<hbm>>
      %dma_start3A_15 = tpu.memref_squeeze %dma_start3A_14 : memref<1x16384xi32, #tpu.memory_space<hbm>> -> memref<16384xi32, #tpu.memory_space<hbm>>
      %dma_start3A_16 = arith.constant 0 : i32
      %dma_start3A_17 = tpu.memref_slice %arg4[%add3A, %dma_start3A_16] : memref<32x16384xi32, #tpu.memory_space<hbm>> -> memref<1x16384xi32, #tpu.memory_space<hbm>>
      %dma_start3A_18 = tpu.memref_squeeze %dma_start3A_17 : memref<1x16384xi32, #tpu.memory_space<hbm>> -> memref<16384xi32, #tpu.memory_space<hbm>>
      tpu.enqueue_dma source(%arg5 : memref<16384xi32, #tpu.memory_space<vmem>>) target(%dma_start3A_18 : memref<16384xi32, #tpu.memory_space<hbm>>) target_semaphore(%run_scoped3A : memref<!tpu.dma_semaphore, #tpu.memory_space<semaphore_mem>>)
      %dma_wait3A_19 = arith.constant 0 : i32
      %dma_wait3A_20 = tpu.memref_slice %arg4[%add3A, %dma_wait3A_19] : memref<32x16384xi32, #tpu.memory_space<hbm>> -> memref<1x16384xi32, #tpu.memory_space<hbm>>
      %dma_wait3A_21 = tpu.memref_squeeze %dma_wait3A_20 : memref<1x16384xi32, #tpu.memory_space<hbm>> -> memref<16384xi32, #tpu.memory_space<hbm>>
      %dma_wait3A_22 = arith.constant 0 : i32
      %dma_wait3A_23 = tpu.memref_slice %arg4[%add3A, %dma_wait3A_22] : memref<32x16384xi32, #tpu.memory_space<hbm>> -> memref<1x16384xi32, #tpu.memory_space<hbm>>
      %dma_wait3A_24 = tpu.memref_squeeze %dma_wait3A_23 : memref<1x16384xi32, #tpu.memory_space<hbm>> -> memref<16384xi32, #tpu.memory_space<hbm>>
      tpu.wait_dma2 semaphore(%run_scoped3A : memref<!tpu.dma_semaphore, #tpu.memory_space<semaphore_mem>>) src(%arg5 : memref<16384xi32, #tpu.memory_space<vmem>>) dst(%dma_wait3A_24 : memref<16384xi32, #tpu.memory_space<hbm>>)
      tpu.yield
    }) : () -> ()
    return
  }
}

</mosaic_0001>

<sc_bundles>
// kernel: _lookup.4.cloned.1.call-start
scs
__scs_entry_jumppad:
0x0: {  	(pc) =	sbr.rel $0x88, $3  }
0x1: {  	(tag) =	ssettag $0x0;
	lr =	simm.s32 $0x1  }
0x2: {  	[smem:$0x3F9D] =	sst lr;
	_ =	strace $0xD0000000  }
0x3: {  	_ = 	snop  }
0x4: {  	_ = 	snop  }
0x5: {  	_ = 	snop  }
0x6: {  	_ = 	snop  }
0x7: {  	_ = 	snop  }
__scs_overlays_trampoline_lowered:
0x8: {  	[smem:$0x3FAC] =	sst s0  }
0x9: {  	[smem:$0x3FAD] =	sst s1  }
0xa: {  	[smem:$0x3FAE] =	sst s2  }
0xb: {  	[smem:$0x3FAF] =	sst s3  }
0xc: {  	[smem:$0x3FB0] =	sst s4  }
0xd: {  	[smem:$0x3FB1] =	sst s5  }
0xe: {  	[smem:$0x3FB2] =	sst s6  }
0xf: {  	[smem:$0x3FB3] =	sst s7  }
0x10: {  	[smem:$0x3FB4] =	sst s8  }
0x11: {  	[smem:$0x3FB5] =	sst s9;
	s0 =	simm.s32 @!p0 $0x0  }
0x12: {  	s1 =	sld [smem:$0x3F9B];
	s0 =	simm.s32 @p0 $0x1  }
0x13: {  	[smem:$0x3FB6] =	sst s0;
	s0 =	simm.s32 @!p1 $0x0  }
0x14: {  	s2 =	sld [smem:$0x3F9A];
	s0 =	simm.s32 @p1 $0x1  }
0x15: {  	[smem:$0x3FB7] =	sst s0;
	s0 =	simm.s32 @!p2 $0x0  }
0x16: {  	s3 =	sld [smem:$0x3FDB];
	s0 =	simm.s32 @p2 $0x1  }
0x17: {  	s4 =	simm.s32 $0x1BF5;
	[smem:$0x3FB9] =	sst s0  }
0x18: {  	s0 =	sld [smem:$0x3F9C];
	_ =	swait.ge [sflag:s4], $0x0  }
0x19: {  	s7 =	sld [smem:$0x3F9D]  }
0x1a: {  	s8 =	sadd.s32 $0xFFFFE003, lr  }
0x1b: {  	s9 =	sadd.s32 $0xFFFFFEF7, lr;
	s5 =	simm.s32 $0xFFFFFFFF;
	p2 =	slt.u32 s8, $0xFFFFF086  }
0x1c: {  	p1 =	slt.u32 s9, $0xF7A;
	s5 =	simm.s32 @!p2 $0x0  }
0x1d: {  	s5 =	simm.s32 @p1 $0x1;
	p0 =	seq.s32 s7, s2  }
0x1e: {  	s7 =	smul.u32 @!p0 $0xF7A, s2;
	p2 =	seq.s32 @!p0 s5, $0x0  }
0x1f: {  	s9 =	smul.u32 $0xF7A, s1;
	s8 =	simm.s32 @!p0 $0x1BF5;
	p2 =	por !p2, p0  }
0x20: {  	[sflag:s8] =	ssyncset.s32 @!p0 $0xFFFFF086;
	s6 =	sadd.s32 @!p0 s3, s7;
	s7 =	simm.s32 @!p0 $0x108  }
0x21: {  	s3 =	sadd.s32 s3, s9;
	s6 =	sadd.s32 @!p0 $0x88, s6;
	s7 =	simm.s32 @p2 $0x1082  }
0x22: {  	[simem:s7], [sflag:s8] =	dma.local @!p0 [hbm:s6], $0xF7A  }
0x23: {  	s9 =	sor.u32 $0xD0000000, s2;
	s6 =	simm.s32 $0x108;
	_ =	swait.ge @!p0 [sflag:s8], $0x0  }
0x24: {  	s3 =	sadd.s32 $0x88, s3;
	s6 =	simm.s32 @!p1 $0x1082;
	[sflag:s4] =	ssyncset.s32 $0xFFFFF086  }
0x25: {  	[simem:s6], [sflag:s4] =	dma.local [hbm:s3], $0xF7A  }
0x26: {  	[smem:$0x3F9D] =	sst s1;
	(tag) =	ssettag s2;
	_ =	strace s9  }
0x27: {  	s1 =	sld [smem:$0x3FAD]  }
0x28: {  	s2 =	sld [smem:$0x3FAE]  }
0x29: {  	s4 =	sld [smem:$0x3FB0]  }
0x2a: {  	p0 =	seq.s32 s5, $0x0;
	s5 =	sld [smem:$0x3FB1]  }
0x2b: {  	s6 =	sld [smem:$0x3FB2]  }
0x2c: {  	s7 =	sld [smem:$0x3FB3]  }
0x2d: {  	s3 =	simm.s32 $0x108;
	s8 =	sld [smem:$0x3FB4]  }
0x2e: {  	s3 =	simm.s32 @!p0 $0x1082;
	s9 =	sld [smem:$0x3FB5]  }
0x2f: {  	lr =	sadd.s32 s0, s3;
	s0 =	sld [smem:$0x3FAC]  }
0x30: {  	s3 =	sld [smem:$0x3FAF]  }
0x31: {  	[smem:$0x3FB8] =	sst s10  }
0x32: {  	s10 =	sld [smem:$0x3FB6];
	_ =	sdelay $0x3  }
0x33: {  	p0 =	seq.s32 s10, $0x1;
	s10 =	sld [smem:$0x3FB8];
	_ =	sdelay $0x3  }
0x34: {  	[smem:$0x3FB8] =	sst s10  }
0x35: {  	s10 =	sld [smem:$0x3FB7];
	_ =	sdelay $0x3  }
0x36: {  	p1 =	seq.s32 s10, $0x1;
	s10 =	sld [smem:$0x3FB8];
	_ =	sdelay $0x3  }
0x37: {  	[smem:$0x3FB8] =	sst s10  }
0x38: {  	s10 =	sld [smem:$0x3FB9]  }
0x39: {  	_ = 	snop;
	(pc) =	sbr.ind lr, $3  }
0x3a: {  	_ = 	snop  }
0x3b: {  	_ = 	snop  }
0x3c: {  	p2 =	seq.s32 s10, $0x1;
	s10 =	sld [smem:$0x3FB8]  }
0x3d: {  	_ =	shalt  }
0x3e: {  	_ =	shalt  }
0x3f: {  	_ =	shalt  }
0x40: {  	_ =	shalt  }
0x41: {  	_ =	shalt  }
0x42: {  	_ =	shalt  }
0x43: {  	_ =	shalt  }
0x44: {  	_ =	shalt  }
0x45: {  	_ =	shalt  }
0x46: {  	_ =	shalt  }
0x47: {  	_ =	shalt  }
0x48: {  	_ =	shalt  }
0x49: {  	_ =	shalt  }
0x4a: {  	_ =	shalt  }
0x4b: {  	_ =	shalt  }
0x4c: {  	_ =	shalt  }
0x4d: {  	_ =	shalt  }
0x4e: {  	_ =	shalt  }
0x4f: {  	_ =	shalt  }
0x50: {  	_ =	shalt  }
0x51: {  	_ =	shalt  }
0x52: {  	_ =	shalt  }
0x53: {  	_ =	shalt  }
0x54: {  	_ =	shalt  }
0x55: {  	_ =	shalt  }
0x56: {  	_ =	shalt  }
0x57: {  	_ =	shalt  }
0x58: {  	_ =	shalt  }
0x59: {  	_ =	shalt  }
0x5a: {  	_ =	shalt  }
0x5b: {  	_ =	shalt  }
0x5c: {  	_ =	shalt  }
0x5d: {  	_ =	shalt  }
0x5e: {  	_ =	shalt  }
0x5f: {  	_ =	shalt  }
0x60: {  	_ =	shalt  }
0x61: {  	_ =	shalt  }
0x62: {  	_ =	shalt  }
0x63: {  	_ =	shalt  }
0x64: {  	_ =	shalt  }
0x65: {  	_ =	shalt  }
0x66: {  	_ =	shalt  }
0x67: {  	_ =	shalt  }
0x68: {  	_ =	shalt  }
0x69: {  	_ =	shalt  }
0x6a: {  	_ =	shalt  }
0x6b: {  	_ =	shalt  }
0x6c: {  	_ =	shalt  }
0x6d: {  	_ =	shalt  }
0x6e: {  	_ =	shalt  }
0x6f: {  	_ =	shalt  }
0x70: {  	_ =	shalt  }
0x71: {  	_ =	shalt  }
0x72: {  	_ =	shalt  }
0x73: {  	_ =	shalt  }
0x74: {  	_ =	shalt  }
0x75: {  	_ =	shalt  }
0x76: {  	_ =	shalt  }
0x77: {  	_ =	shalt  }
0x78: {  	_ =	shalt  }
0x79: {  	_ =	shalt  }
0x7a: {  	_ =	shalt  }
0x7b: {  	_ =	shalt  }
0x7c: {  	_ =	shalt  }
0x7d: {  	_ =	shalt  }
0x7e: {  	_ =	shalt  }
0x7f: {  	_ =	shalt  }
0x80: {  	_ =	shalt  }
0x81: {  	_ =	shalt  }
0x82: {  	_ =	shalt  }
0x83: {  	_ =	shalt  }
0x84: {  	_ =	shalt  }
0x85: {  	_ =	shalt  }
0x86: {  	_ =	shalt  }
0x87: {  	_ =	shalt  }
.Lfunc_end0:
.L_simem_size_0:
called_computation_lowered:
.L_overlay_start_0:
0x88: {  	s2 =	sld [smem:$0x3FD9]  }
0x89: {  	s3 =	sld [smem:$0x3FFE];
	_ =	sdelay $0x1  }
0x8a: {  	s1 =	srdreg.scid  }
0x8b: {  	s0 =	sand.u32 $0x1, s1  }
0x8c: {  	s14 =	sshll.u32 s0, $0xA;
	s2 =	sadd.s32 s3, s2  }
0x8d: {  	s2 =	sadd.s32 s2, s14  }
0x8e: {  	[smem:$0x3FC4] =	sst s2  }
0x8f: {  	_ = 	snop  }
0x90: {  	s2 =	sld [smem:$0x3FD0];
	_ =	sdelay $0x2  }
0x91: {  	s4 =	simm.s32 $0xB;
	s5 =	simm.s32 $0x10;
	s15 =	sld [smem:$0x3FC9]  }
0x92: {  	[smem:s5], [sflag:s4] =	dma.local [hbm:s2], $0x1  }
0x93: {  	_ =	swait.eq [sflag:s4], $0x1  }
0x94: {  	[sflag:s4] =	ssyncset.done $0x0  }
0x95: {  	[sflag:s4] =	ssyncadd.s32 $0xFFFFFFFF  }
0x96: {  	s16 =	sld [smem:$0x11];
	(tm) =	ssettm $0x1  }
0x97: {  	s17 =	sld [smem:$0x3FFB];
	_ =	sdelay $0x3  }
0x98: {  	_ =	strace s17  }
0x99: {  	s4 =	sld [smem:$0x3FFC];
	_ =	sdelay $0x3  }
0x9a: {  	_ =	strace s4  }
0x9b: {  	s4 =	sld [smem:$0x3FFD];
	_ =	sdelay $0x3  }
0x9c: {  	_ =	strace s4  }
0x9d: {  	_ =	strace $0x8FFFFFFF  }
0x9e: {  	s18 =	sld [smem:$0x3FDB];
	_ =	sdelay $0x1  }
0x9f: {  	s19 =	simm.s32 $_scs_section_size  }
0xa0: {  	s6 =	simm.s32 $_size__tile_overlayer_lowered;
	s7 =	simm.s32 $_tile_overlayer_lowered  }
0xa1: {  	s22 =	simm.s32 $0x1BFF;
	s21 =	sshll.u32 s7, $0x1;
	s4 =	sadd.s32 s19, s18  }
0xa2: {  	s8 =	simm.s32 $0x0;
	s20 =	sshll.u32 s6, $0x1;
	s6 =	sadd.s32 s21, s4  }
0xa3: {  	[timem:s8], [sflag:s22] =	dma.local [hbm:s6], s20  }
0xa4: {  	_ =	swait.ge [sflag:s22], s20  }
0xa5: {  	s5 =	ssub.s32 $0x0, s20;
	[sflag:s22] =	ssyncset.done $0x0  }
0xa6: {  	[sflag:s22] =	ssyncadd.s32 s5;
	_ =	sdelay $0x1  }
0xa7: {  	s23 =	simm.s32 $0x1B8B  }
0xa8: {  	_ =	swait.ge [sflag:s23], $0x1  }
0xa9: {  	[sflag:s23] =	ssyncset.done $0x0  }
0xaa: {  	s25 =	simm.s32 $0x1B8E;
	s24 =	sld [smem:$0x3FFE];
	[sflag:s23] =	ssyncadd.s32 $0xFFFFFFFF  }
0xab: {  	s26 =	simm.s32 $execute0_lowered;
	[smem:$0x3FD2] =	sst s25  }
0xac: {  	s6 =	sshll.u32 s26, $0x1;
	_ =	strace $0x80000046;
	[dreg:$0x1] =	wrdreg $0xFFFFFFFF  }
0xad: {  	s28 =	simm.s32 $_size_execute0_lowered;
	s4 =	sadd.s32 s4, s6;
	[dreg:$0x0] =	wrdreg $0x0  }
0xae: {  	s6 =	sshll.u32 s28, $0x1;
	[dreg:$0x2] =	wrdreg s4  }
0xaf: {  	[dreg:$0x3] =	wrdreg s6  }
0xb0: {  	[dreg:$0x4] =	wrdreg $0xC0  }
0xb1: {  	_ =	task [dreg:s8], $0x5FFFF  }
0xb2: {  	[dreg:$0x1] =	wrdreg $0xFFFFFFFF  }
0xb3: {  	[dreg:$0x0] =	wrdreg $0x60  }
0xb4: {  	[dreg:$0x2] =	wrdreg s15  }
0xb5: {  	[dreg:$0x3] =	wrdreg s24  }
0xb6: {  	[dreg:$0x4] =	wrdreg s16  }
0xb7: {  	[dreg:$0x5] =	wrdreg $0x9  }
0xb8: {  	_ =	task.clear_ibuf [dreg:s8], $0x6FFFF;
	_ =	strace $0x90000046  }
0xb9: {  	s29 =	simm.s32 $0x9;
	_ =	strace $0x80000048  }
0xba: {  	_ =	swait.ge [sflag:s29], $0x1  }
0xbb: {  	[sflag:s29] =	ssyncadd.s32 $0xFFFFFFFF  }
0xbc: {  	_ =	strace $0x90000048  }
0xbd: {  	_ =	sfence  }
0xbe: {  	s30 =	sld [smem:$0x0];
	_ =	sdelay $0x2  }
0xbf: {  	s31 =	sshll.u32 s1, $0xD;
	s1 =	sshrl.u32 s1, $0x2  }
0xc0: {  	s3 =	sand.u32 $0x4000, s31;
	s1 =	sadd.s32 s1, s30  }
0xc1: {  	s0 =	sor.u32 s3, s0;
	s1 =	sshll.u32 s1, $0x11  }
0xc2: {  	s0 =	sor.u32 s1, s0  }
0xc3: {  	s0 =	sadd.s32 $0x8F2B, s0  }
0xc4: {  	[sflag:s0] =	ssyncadd.remote.s32 $0x1  }
0xc5: {  	_ =	sfence.sel $0xFFFF  }
0xc6: {  	[dreg:$0x0] =	wrdreg $0xFFFFFFFF;
	(pc) =	sbr.abs _section_cstart, $3  }
0xc7: {  	[dreg:$0x1] =	wrdreg $0xFFFFFFFF  }
0xc8: {  	_ =	task.clear_ibuf [dreg:s8], $0x2FFFF;
	_ =	strace $0x9FFFFFFF  }
0xc9: {  	(tm) =	ssettm $0x7FFFFFFF  }
tec
execute0_lowered:
.L_overlay_start_1:
0x0: {  	(tag) =	ssettag $0x1  }
0x1: {  	s1 =	rddreg [dreg:$0x0]  }
0x2: {  	s4 =	rddreg [dreg:$0x1];
	s2 =	srdreg.scid  }
0x3: {  	s0 =	stileid.u32;
	s5 =	rddreg [dreg:$0x2]  }
0x4: {  	s3 =	simm.s32 $0x0;
	s9 =	simm.s32 $0x2;
	s10 =	simm.s32 $0x3  }
0x5: {  	s11 =	simm.s32 $0x0;
	s6 =	sand.u32 $0x1, s2;
	s7 =	sshll.u32 s0, $0x1  }
0x6: {  	s2 =	rddreg [dreg:$0x3];
	s7 =	sor.u32 s6, s7;
	s6 =	ssub.s32 $0x2, s6  }
0x7: {  	[smem:$0x7FF] =	sst s3;
	s8 =	smul.u32 $0x30D4, s7;
	s31 =	sshrl.u32 s6, $0x1  }
0x8: {  	_ =	strace $0x80000047;
	s7 =	sshll.u32 s7, $0xB;
	s6 =	ssub.s32 s6, s31  }
0x9: {  	s5 =	sadd.s32 s5, s7;
	s7 =	simm.s32 $0x4000;
	s4 =	sadd.s32 s8, s4  }
0xa: {  	s6 =	smax.u32 s6, $0x1;
	s8 =	simm.s32 $0x1;
	s4 =	sadd.s32 $0x1A00, s4  }
.LBB2_1:
0xb: {  	[tilespmem:s3], [sflag:$0x1] =	stream.linear.gather [hbm4b:s1+s3], $0x4000, $0x38;
	[tilespmem:$0x1C6A0] =	vst v63  }
0xc: {  	_ = 	snop  }
0xd: {  	[tilespmem:s7], [sflag:$0x2] =	stream.linear.gather [hbm4b:s4+s3], $0x186A0, $0x38;
	[tilespmem:$0x1C6A0] =	vst v63  }
0xe: {  	_ =	swait.ge [sflag:s8], $0x4000  }
0xf: {  	[sflag:s8] =	ssyncset.done $0x0  }
0x10: {  	[sflag:s8] =	ssyncadd.s32 $0xFFFFC000  }
0x11: {  	_ =	swait.ge [sflag:s9], $0x186A0  }
0x12: {  	[sflag:s9] =	ssyncset.done $0x0  }
0x13: {  	s12 =	simm.s32 $0x80;
	[sflag:s9] =	ssyncadd.s32 $0xFFFE7960  }
0x14: {  	v0 =	vld [tilespmem:s12+$0x70]  }
0x15: {  	v1 =	vld [tilespmem:s12+$0xFFFFFF90]  }
0x16: {  	v2 =	vld [tilespmem:s12+$0xFFFFFFA0]  }
0x17: {  	v3 =	vld [tilespmem:s12+$0xFFFFFFB0]  }
0x18: {  	v4 =	vld [tilespmem:s12+$0xFFFFFFC0]  }
0x19: {  	v5 =	vld [tilespmem:s12+$0xFFFFFFD0]  }
0x1a: {  	v6 =	vld [tilespmem:s12+$0xFFFFFFE0]  }
0x1b: {  	v7 =	vld [tilespmem:s12+$0xFFFFFFF0]  }
0x1c: {  	v8 =	vld [tilespmem:s12+$0x0]  }
0x1d: {  	v9 =	vld [tilespmem:s12+$0x10]  }
0x1e: {  	v10 =	vld [tilespmem:s12+$0x20]  }
0x1f: {  	v11 =	vld [tilespmem:s12+$0x30]  }
0x20: {  	v12 =	vld [tilespmem:s12+$0x40]  }
0x21: {  	v13 =	vld [tilespmem:s12+$0x50]  }
0x22: {  	v14 =	vld [tilespmem:s12+$0x60]  }
0x23: {  	v15 =	vld [tilespmem:s12+$0xFFFFFF80]  }
0x24: {  	v0 =	vld.idx.msk [tilespmem:v0+s7+$0x0], $0xffff  }
0x25: {  	v1 =	vld.idx.msk [tilespmem:v1+s7+$0x0], $0xffff  }
0x26: {  	v2 =	vld.idx.msk [tilespmem:v2+s7+$0x0], $0xffff  }
0x27: {  	v3 =	vld.idx.msk [tilespmem:v3+s7+$0x0], $0xffff  }
0x28: {  	v4 =	vld.idx.msk [tilespmem:v4+s7+$0x0], $0xffff  }
0x29: {  	v5 =	vld.idx.msk [tilespmem:v5+s7+$0x0], $0xffff  }
0x2a: {  	v6 =	vld.idx.msk [tilespmem:v6+s7+$0x0], $0xffff;
	[tilespmem:s12+$0x70] =	vst v0  }
0x2b: {  	v7 =	vld.idx.msk [tilespmem:v7+s7+$0x0], $0xffff;
	[tilespmem:s12+$0xFFFFFF90] =	vst v1  }
0x2c: {  	v15 =	vld.idx.msk [tilespmem:v15+s7+$0x0], $0xffff;
	[tilespmem:s12+$0xFFFFFFA0] =	vst v2  }
0x2d: {  	v8 =	vld.idx.msk [tilespmem:v8+s7+$0x0], $0xffff;
	[tilespmem:s12+$0xFFFFFFB0] =	vst v3  }
0x2e: {  	[tilespmem:s12+$0xFFFFFFC0] =	vst v4;
	v0 =	vld.idx.msk [tilespmem:v9+s7+$0x0], $0xffff  }
0x2f: {  	[tilespmem:s12+$0xFFFFFFD0] =	vst v5;
	v1 =	vld.idx.msk [tilespmem:v10+s7+$0x0], $0xffff  }
0x30: {  	[tilespmem:s12+$0xFFFFFFE0] =	vst v6;
	v2 =	vld.idx.msk [tilespmem:v11+s7+$0x0], $0xffff  }
0x31: {  	[tilespmem:s12+$0xFFFFFFF0] =	vst v7;
	v3 =	vld.idx.msk [tilespmem:v12+s7+$0x0], $0xffff  }
0x32: {  	[tilespmem:s12+$0xFFFFFF80] =	vst v15;
	v4 =	vld.idx.msk [tilespmem:v13+s7+$0x0], $0xffff  }
0x33: {  	s13 =	simm.s32 $0x0;
	s14 =	simm.s32 $0x180;
	[tilespmem:s12+$0x0] =	vst v8;
	v5 =	vld.idx.msk [tilespmem:v14+s7+$0x0], $0xffff  }
.LBB2_2:
0x34: {  	v6 =	vld [tilespmem:s14+$0x70];
	s13 =	sadd.s32 $0x10, s13;
	[tilespmem:s12+$0x10] =	vst v0  }
0x35: {  	v0 =	vld [tilespmem:s14+$0xFFFFFF90];
	p0 =	slt.u32 s13, $0x3F0;
	[tilespmem:s12+$0x20] =	vst v1  }
0x36: {  	v1 =	vld [tilespmem:s14+$0xFFFFFFA0];
	[tilespmem:s12+$0x30] =	vst v2  }
0x37: {  	v2 =	vld [tilespmem:s14+$0xFFFFFFB0];
	[tilespmem:s12+$0x40] =	vst v3  }
0x38: {  	v3 =	vld [tilespmem:s14+$0xFFFFFFC0];
	[tilespmem:s12+$0x50] =	vst v4  }
0x39: {  	v4 =	vld [tilespmem:s14+$0xFFFFFFD0];
	[tilespmem:s12+$0x60] =	vst v5;
	s12 =	smov.u32 s14  }
0x3a: {  	v5 =	vld [tilespmem:s14+$0xFFFFFFE0]  }
0x3b: {  	v7 =	vld [tilespmem:s14+$0xFFFFFFF0]  }
0x3c: {  	v6 =	vld.idx.msk [tilespmem:v6+s7+$0x0], $0xffff  }
0x3d: {  	v8 =	vld [tilespmem:s14+$0x0]  }
0x3e: {  	v9 =	vld [tilespmem:s14+$0x10]  }
0x3f: {  	v10 =	vld [tilespmem:s14+$0x20]  }
0x40: {  	v11 =	vld [tilespmem:s14+$0x30]  }
0x41: {  	v12 =	vld [tilespmem:s14+$0x40]  }
0x42: {  	v13 =	vld [tilespmem:s14+$0x50];
	[tilespmem:s14+$0x70] =	vst v6  }
0x43: {  	v6 =	vld [tilespmem:s14+$0x60]  }
0x44: {  	v14 =	vld [tilespmem:s14+$0xFFFFFF80]  }
0x45: {  	v0 =	vld.idx.msk [tilespmem:v0+s7+$0x0], $0xffff  }
0x46: {  	v1 =	vld.idx.msk [tilespmem:v1+s7+$0x0], $0xffff  }
0x47: {  	v2 =	vld.idx.msk [tilespmem:v2+s7+$0x0], $0xffff  }
0x48: {  	v3 =	vld.idx.msk [tilespmem:v3+s7+$0x0], $0xffff  }
0x49: {  	v4 =	vld.idx.msk [tilespmem:v4+s7+$0x0], $0xffff  }
0x4a: {  	v5 =	vld.idx.msk [tilespmem:v5+s7+$0x0], $0xffff  }
0x4b: {  	[tilespmem:s14+$0xFFFFFF90] =	vst v0;
	v7 =	vld.idx.msk [tilespmem:v7+s7+$0x0], $0xffff  }
0x4c: {  	v14 =	vld.idx.msk [tilespmem:v14+s7+$0x0], $0xffff;
	[tilespmem:s14+$0xFFFFFFA0] =	vst v1  }
0x4d: {  	[tilespmem:s14+$0xFFFFFFB0] =	vst v2;
	v8 =	vld.idx.msk [tilespmem:v8+s7+$0x0], $0xffff  }
0x4e: {  	[tilespmem:s14+$0xFFFFFFC0] =	vst v3;
	v0 =	vld.idx.msk [tilespmem:v9+s7+$0x0], $0xffff  }
.Ltmp0:
0x4f: {  	[tilespmem:s14+$0xFFFFFFD0] =	vst v4;
	v1 =	vld.idx.msk [tilespmem:v10+s7+$0x0], $0xffff;
	(pc) =	sbr.rel @p0 .LBB2_2-.Ltmp0, $4  }
0x50: {  	[tilespmem:s14+$0xFFFFFFE0] =	vst v5;
	v2 =	vld.idx.msk [tilespmem:v11+s7+$0x0], $0xffff  }
0x51: {  	[tilespmem:s14+$0xFFFFFFF0] =	vst v7;
	v3 =	vld.idx.msk [tilespmem:v12+s7+$0x0], $0xffff  }
0x52: {  	[tilespmem:s14+$0xFFFFFF80] =	vst v14;
	v4 =	vld.idx.msk [tilespmem:v13+s7+$0x0], $0xffff  }
0x53: {  	s14 =	sadd.s32 $0x100, s14;
	[tilespmem:s12+$0x0] =	vst v8;
	v5 =	vld.idx.msk [tilespmem:v6+s7+$0x0], $0xffff  }
0x54: {  	[tilespmem:s12+$0x10] =	vst v0  }
0x55: {  	[tilespmem:s12+$0x20] =	vst v1  }
0x56: {  	[tilespmem:s12+$0x30] =	vst v2  }
0x57: {  	s11 =	sadd.s32 $0x1, s11;
	[tilespmem:s12+$0x40] =	vst v3  }
0x58: {  	p0 =	sne.s32 s11, s6;
	[tilespmem:s12+$0x50] =	vst v4  }
.Ltmp1:
0x59: {  	[tilespmem:s12+$0x60] =	vst v5;
	(pc) =	sbr.rel @p0 .LBB2_1-.Ltmp1, $4  }
0x5a: {  	[hbm4b:s5+s3] =	stream.linear.scatter [tilespmem:s3], [sflag:$0x3], $0x4000, $0x38;
	[tilespmem:$0x1C6A0] =	vst v63  }
0x5b: {  	_ =	swait.ge [sflag:s10], $0x4000  }
0x5c: {  	[sflag:s10] =	ssyncset.done $0x0  }
0x5d: {  	[sflag:s10] =	ssyncadd.s32 $0xFFFFC000  }
0x5e: {  	_ =	sfence.sel $0x180000  }
0x5f: {  	[bflag:$0x0] =	sbarrier.arrive $0xFFFF  }
0x60: {  	p0 =	sne.s32 s0, $0x0;
	_ =	strace $0x90000047  }
0x61: {  	s0 =	sadd.s32 @!p0 $0x100000, s2;
	[bflag:$0x2] =	sbarrier.arrive $0xFFFF  }
0x62: {  	[sflag:s0] =	ssyncadd.tile.s32 @!p0 $0x1;
	_ =	shalt  }
.Lfunc_end2:
_tile_overlayer_lowered:
.L_overlay_start_2:
0x63: {  	(tag) =	ssettag $0x2  }
0x64: {  	s0 =	rddreg [dreg:$0x0];
	s2 =	stileid.u32  }
0x65: {  	s1 =	rddreg [dreg:$0x1];
	p0 =	sne.s32 s2, $0x0  }
0x66: {  	s3 =	rddreg [dreg:$0x2];
	[bflag:$0x3] =	sbarrier.arrive $0xFFFF;
	s2 =	simm.s32 @!p0 $0x1C03  }
0x67: {  	[timem:s3], [sflag:s2] =	dma.local @!p0 [hbm:s0], s1  }
0x68: {  	s0 =	simm.s32 @!p0 $0x3  }
0x69: {  	_ =	swait.ge @!p0 [sflag:s0], s1  }
0x6a: {  	s1 =	ssub.s32 @!p0 $0x0, s1;
	[sflag:s0] =	ssyncset.done @!p0 $0x0  }
0x6b: {  	[sflag:s0] =	ssyncadd.s32 @!p0 s1  }
0x6c: {  	[bflag:$0x3] =	sbarrier.arrive $0xFFFF  }
0x6d: {  	_ =	shalt  }

// kernel: _lookup.7.cloned.1.call-start
scs
__scs_entry_jumppad:
0x0: {  	(pc) =	sbr.rel $0x88, $3  }
0x1: {  	(tag) =	ssettag $0x0;
	lr =	simm.s32 $0x1  }
0x2: {  	[smem:$0x3F9D] =	sst lr;
	_ =	strace $0xD0000000  }
0x3: {  	_ = 	snop  }
0x4: {  	_ = 	snop  }
0x5: {  	_ = 	snop  }
0x6: {  	_ = 	snop  }
0x7: {  	_ = 	snop  }
__scs_overlays_trampoline_lowered:
0x8: {  	[smem:$0x3FAC] =	sst s0  }
0x9: {  	[smem:$0x3FAD] =	sst s1  }
0xa: {  	[smem:$0x3FAE] =	sst s2  }
0xb: {  	[smem:$0x3FAF] =	sst s3  }
0xc: {  	[smem:$0x3FB0] =	sst s4  }
0xd: {  	[smem:$0x3FB1] =	sst s5  }
0xe: {  	[smem:$0x3FB2] =	sst s6  }
0xf: {  	[smem:$0x3FB3] =	sst s7  }
0x10: {  	[smem:$0x3FB4] =	sst s8  }
0x11: {  	[smem:$0x3FB5] =	sst s9;
	s0 =	simm.s32 @!p0 $0x0  }
0x12: {  	s1 =	sld [smem:$0x3F9B];
	s0 =	simm.s32 @p0 $0x1  }
0x13: {  	[smem:$0x3FB6] =	sst s0;
	s0 =	simm.s32 @!p1 $0x0  }
0x14: {  	s2 =	sld [smem:$0x3F9A];
	s0 =	simm.s32 @p1 $0x1  }
0x15: {  	[smem:$0x3FB7] =	sst s0;
	s0 =	simm.s32 @!p2 $0x0  }
0x16: {  	s3 =	sld [smem:$0x3FDB];
	s0 =	simm.s32 @p2 $0x1  }
0x17: {  	s4 =	simm.s32 $0x1BF5;
	[smem:$0x3FB9] =	sst s0  }
0x18: {  	s0 =	sld [smem:$0x3F9C];
	_ =	swait.ge [sflag:s4], $0x0  }
0x19: {  	s7 =	sld [smem:$0x3F9D]  }
0x1a: {  	s8 =	sadd.s32 $0xFFFFE003, lr  }
0x1b: {  	s9 =	sadd.s32 $0xFFFFFEF7, lr;
	s5 =	simm.s32 $0xFFFFFFFF;
	p2 =	slt.u32 s8, $0xFFFFF086  }
0x1c: {  	p1 =	slt.u32 s9, $0xF7A;
	s5 =	simm.s32 @!p2 $0x0  }
0x1d: {  	s5 =	simm.s32 @p1 $0x1;
	p0 =	seq.s32 s7, s2  }
0x1e: {  	s7 =	smul.u32 @!p0 $0xF7A, s2;
	p2 =	seq.s32 @!p0 s5, $0x0  }
0x1f: {  	s9 =	smul.u32 $0xF7A, s1;
	s8 =	simm.s32 @!p0 $0x1BF5;
	p2 =	por !p2, p0  }
0x20: {  	[sflag:s8] =	ssyncset.s32 @!p0 $0xFFFFF086;
	s6 =	sadd.s32 @!p0 s3, s7;
	s7 =	simm.s32 @!p0 $0x108  }
0x21: {  	s3 =	sadd.s32 s3, s9;
	s6 =	sadd.s32 @!p0 $0x88, s6;
	s7 =	simm.s32 @p2 $0x1082  }
0x22: {  	[simem:s7], [sflag:s8] =	dma.local @!p0 [hbm:s6], $0xF7A  }
0x23: {  	s9 =	sor.u32 $0xD0000000, s2;
	s6 =	simm.s32 $0x108;
	_ =	swait.ge @!p0 [sflag:s8], $0x0  }
0x24: {  	s3 =	sadd.s32 $0x88, s3;
	s6 =	simm.s32 @!p1 $0x1082;
	[sflag:s4] =	ssyncset.s32 $0xFFFFF086  }
0x25: {  	[simem:s6], [sflag:s4] =	dma.local [hbm:s3], $0xF7A  }
0x26: {  	[smem:$0x3F9D] =	sst s1;
	(tag) =	ssettag s2;
	_ =	strace s9  }
0x27: {  	s1 =	sld [smem:$0x3FAD]  }
0x28: {  	s2 =	sld [smem:$0x3FAE]  }
0x29: {  	s4 =	sld [smem:$0x3FB0]  }
0x2a: {  	p0 =	seq.s32 s5, $0x0;
	s5 =	sld [smem:$0x3FB1]  }
0x2b: {  	s6 =	sld [smem:$0x3FB2]  }
0x2c: {  	s7 =	sld [smem:$0x3FB3]  }
0x2d: {  	s3 =	simm.s32 $0x108;
	s8 =	sld [smem:$0x3FB4]  }
0x2e: {  	s3 =	simm.s32 @!p0 $0x1082;
	s9 =	sld [smem:$0x3FB5]  }
0x2f: {  	lr =	sadd.s32 s0, s3;
	s0 =	sld [smem:$0x3FAC]  }
0x30: {  	s3 =	sld [smem:$0x3FAF]  }
0x31: {  	[smem:$0x3FB8] =	sst s10  }
0x32: {  	s10 =	sld [smem:$0x3FB6];
	_ =	sdelay $0x3  }
0x33: {  	p0 =	seq.s32 s10, $0x1;
	s10 =	sld [smem:$0x3FB8];
	_ =	sdelay $0x3  }
0x34: {  	[smem:$0x3FB8] =	sst s10  }
0x35: {  	s10 =	sld [smem:$0x3FB7];
	_ =	sdelay $0x3  }
0x36: {  	p1 =	seq.s32 s10, $0x1;
	s10 =	sld [smem:$0x3FB8];
	_ =	sdelay $0x3  }
0x37: {  	[smem:$0x3FB8] =	sst s10  }
0x38: {  	s10 =	sld [smem:$0x3FB9]  }
0x39: {  	_ = 	snop;
	(pc) =	sbr.ind lr, $3  }
0x3a: {  	_ = 	snop  }
0x3b: {  	_ = 	snop  }
0x3c: {  	p2 =	seq.s32 s10, $0x1;
	s10 =	sld [smem:$0x3FB8]  }
0x3d: {  	_ =	shalt  }
0x3e: {  	_ =	shalt  }
0x3f: {  	_ =	shalt  }
0x40: {  	_ =	shalt  }
0x41: {  	_ =	shalt  }
0x42: {  	_ =	shalt  }
0x43: {  	_ =	shalt  }
0x44: {  	_ =	shalt  }
0x45: {  	_ =	shalt  }
0x46: {  	_ =	shalt  }
0x47: {  	_ =	shalt  }
0x48: {  	_ =	shalt  }
0x49: {  	_ =	shalt  }
0x4a: {  	_ =	shalt  }
0x4b: {  	_ =	shalt  }
0x4c: {  	_ =	shalt  }
0x4d: {  	_ =	shalt  }
0x4e: {  	_ =	shalt  }
0x4f: {  	_ =	shalt  }
0x50: {  	_ =	shalt  }
0x51: {  	_ =	shalt  }
0x52: {  	_ =	shalt  }
0x53: {  	_ =	shalt  }
0x54: {  	_ =	shalt  }
0x55: {  	_ =	shalt  }
0x56: {  	_ =	shalt  }
0x57: {  	_ =	shalt  }
0x58: {  	_ =	shalt  }
0x59: {  	_ =	shalt  }
0x5a: {  	_ =	shalt  }
0x5b: {  	_ =	shalt  }
0x5c: {  	_ =	shalt  }
0x5d: {  	_ =	shalt  }
0x5e: {  	_ =	shalt  }
0x5f: {  	_ =	shalt  }
0x60: {  	_ =	shalt  }
0x61: {  	_ =	shalt  }
0x62: {  	_ =	shalt  }
0x63: {  	_ =	shalt  }
0x64: {  	_ =	shalt  }
0x65: {  	_ =	shalt  }
0x66: {  	_ =	shalt  }
0x67: {  	_ =	shalt  }
0x68: {  	_ =	shalt  }
0x69: {  	_ =	shalt  }
0x6a: {  	_ =	shalt  }
0x6b: {  	_ =	shalt  }
0x6c: {  	_ =	shalt  }
0x6d: {  	_ =	shalt  }
0x6e: {  	_ =	shalt  }
0x6f: {  	_ =	shalt  }
0x70: {  	_ =	shalt  }
0x71: {  	_ =	shalt  }
0x72: {  	_ =	shalt  }
0x73: {  	_ =	shalt  }
0x74: {  	_ =	shalt  }
0x75: {  	_ =	shalt  }
0x76: {  	_ =	shalt  }
0x77: {  	_ =	shalt  }
0x78: {  	_ =	shalt  }
0x79: {  	_ =	shalt  }
0x7a: {  	_ =	shalt  }
0x7b: {  	_ =	shalt  }
0x7c: {  	_ =	shalt  }
0x7d: {  	_ =	shalt  }
0x7e: {  	_ =	shalt  }
0x7f: {  	_ =	shalt  }
0x80: {  	_ =	shalt  }
0x81: {  	_ =	shalt  }
0x82: {  	_ =	shalt  }
0x83: {  	_ =	shalt  }
0x84: {  	_ =	shalt  }
0x85: {  	_ =	shalt  }
0x86: {  	_ =	shalt  }
0x87: {  	_ =	shalt  }
.Lfunc_end0:
.L_simem_size_0:
called_computation.1_lowered:
.L_overlay_start_0:
0x88: {  	s2 =	sld [smem:$0x3FD9]  }
0x89: {  	s3 =	sld [smem:$0x3FFE];
	_ =	sdelay $0x1  }
0x8a: {  	s1 =	srdreg.scid  }
0x8b: {  	s0 =	sand.u32 $0x1, s1  }
0x8c: {  	s15 =	sshll.u32 s0, $0xA;
	s2 =	sadd.s32 s3, s2  }
0x8d: {  	s2 =	sadd.s32 s2, s15  }
0x8e: {  	[smem:$0x3FC4] =	sst s2  }
0x8f: {  	_ = 	snop  }
0x90: {  	s16 =	sld [smem:$0x3FD0];
	_ =	sdelay $0x2  }
0x91: {  	s4 =	simm.s32 $0xB;
	s5 =	simm.s32 $0x10;
	s2 =	sld [smem:$0x3FC8]  }
0x92: {  	[smem:s5], [sflag:s4] =	dma.local [hbm:s16], $0x1  }
0x93: {  	_ =	swait.eq [sflag:s4], $0x1  }
0x94: {  	[sflag:s4] =	ssyncset.done $0x0  }
0x95: {  	[sflag:s4] =	ssyncadd.s32 $0xFFFFFFFF  }
0x96: {  	s17 =	sld [smem:$0x10];
	(tm) =	ssettm $0x1  }
0x97: {  	s18 =	sld [smem:$0x3FFB];
	_ =	sdelay $0x3  }
0x98: {  	_ =	strace s18  }
0x99: {  	s3 =	sld [smem:$0x3FFC];
	_ =	sdelay $0x3  }
0x9a: {  	_ =	strace s3  }
0x9b: {  	s3 =	sld [smem:$0x3FFD];
	_ =	sdelay $0x3  }
0x9c: {  	_ =	strace s3  }
0x9d: {  	_ =	strace $0x8FFFFFFF  }
0x9e: {  	s19 =	sld [smem:$0x3FDB];
	_ =	sdelay $0x1  }
0x9f: {  	s20 =	simm.s32 $_scs_section_size  }
0xa0: {  	s6 =	simm.s32 $_size__tile_overlayer_lowered;
	s7 =	simm.s32 $_tile_overlayer_lowered  }
0xa1: {  	s8 =	simm.s32 $0x1BFF;
	s21 =	sshll.u32 s7, $0x1;
	s5 =	sadd.s32 s20, s19  }
0xa2: {  	s22 =	simm.s32 $0x0;
	s6 =	sshll.u32 s6, $0x1;
	s7 =	sadd.s32 s21, s5  }
0xa3: {  	[timem:s22], [sflag:s8] =	dma.local [hbm:s7], s6  }
0xa4: {  	_ =	swait.ge [sflag:s8], s6  }
0xa5: {  	s6 =	ssub.s32 $0x0, s6;
	[sflag:s8] =	ssyncset.done $0x0  }
0xa6: {  	[sflag:s8] =	ssyncadd.s32 s6;
	_ =	sdelay $0x1  }
0xa7: {  	s23 =	simm.s32 $0x1B8B  }
0xa8: {  	_ =	swait.ge [sflag:s23], $0x1  }
0xa9: {  	[sflag:s23] =	ssyncset.done $0x0  }
0xaa: {  	[sflag:s23] =	ssyncadd.s32 $0xFFFFFFFF  }
0xab: {  	s6 =	sld [smem:$0x0]  }
0xac: {  	s7 =	sand.u32 $0xFFFFFFFE, s1  }
0xad: {  	p0 =	sne.s32 s1, s7  }
0xae: {  	s7 =	sshll.u32 @p0 s7, $0xE  }
0xaf: {  	s7 =	sadd.s32 @p0 $0x11B8D, s7;
	s8 =	sshll.u32 @p0 s6, $0x11  }
0xb0: {  	s7 =	sor.u32 @p0 s8, s7  }
0xb1: {  	[sflag:s7] =	ssyncadd.remote.s32 @p0 $0x1;
	_ =	sdelay $0x1  }
0xb2: {  	s7 =	simm.s32 @p0 $0x1B8D  }
0xb3: {  	_ =	swait.eq @p0 [sflag:s7], $0x1  }
0xb4: {  	[sflag:s7] =	ssyncadd.s32 @p0 $0xFFFFFFFF  }
0xb5: {  	s8 =	sshll.u32 @!p0 s1, $0xE  }
0xb6: {  	s8 =	sor.u32 @!p0 $0x4000, s8;
	s7 =	simm.s32 @!p0 $0x1B8D  }
0xb7: {  	s6 =	sshll.u32 @!p0 s6, $0x11;
	s8 =	sadd.s32 @!p0 $0x11B8D, s8;
	_ =	swait.eq @!p0 [sflag:s7], $0x1  }
0xb8: {  	s6 =	sor.u32 @!p0 s6, s8;
	[sflag:s7] =	ssyncadd.s32 @!p0 $0xFFFFFFFF  }
0xb9: {  	s25 =	simm.s32 $0x1B8E;
	s24 =	sld [smem:$0x3FFE];
	[sflag:s6] =	ssyncadd.remote.s32 @!p0 $0x1  }
0xba: {  	s26 =	simm.s32 $execute0_lowered;
	[smem:$0x3FD2] =	sst s25  }
0xbb: {  	s7 =	sshll.u32 s26, $0x1;
	_ =	strace $0x80000049;
	[dreg:$0x1] =	wrdreg $0xFFFFFFFF  }
0xbc: {  	s28 =	simm.s32 $_size_execute0_lowered;
	s5 =	sadd.s32 s5, s7;
	[dreg:$0x0] =	wrdreg $0x0  }
0xbd: {  	s7 =	sshll.u32 s28, $0x1;
	[dreg:$0x2] =	wrdreg s5  }
0xbe: {  	[dreg:$0x3] =	wrdreg s7  }
0xbf: {  	[dreg:$0x4] =	wrdreg $0xC0  }
0xc0: {  	_ =	task [dreg:s22], $0x5FFFF  }
0xc1: {  	[dreg:$0x1] =	wrdreg $0xFFFFFFFF  }
0xc2: {  	[dreg:$0x0] =	wrdreg $0x60  }
0xc3: {  	[dreg:$0x2] =	wrdreg s2  }
0xc4: {  	[dreg:$0x3] =	wrdreg s24  }
0xc5: {  	[dreg:$0x4] =	wrdreg s17  }
0xc6: {  	[dreg:$0x5] =	wrdreg $0xA  }
0xc7: {  	_ =	task.clear_ibuf [dreg:s22], $0x6FFFF;
	_ =	strace $0x90000049  }
0xc8: {  	s29 =	simm.s32 $0xA;
	_ =	strace $0x8000004B  }
0xc9: {  	_ =	swait.ge [sflag:s29], $0x1  }
0xca: {  	[sflag:s29] =	ssyncadd.s32 $0xFFFFFFFF  }
0xcb: {  	_ =	strace $0x9000004B  }
0xcc: {  	_ =	sfence  }
0xcd: {  	s30 =	sld [smem:$0x0];
	_ =	sdelay $0x2  }
0xce: {  	s31 =	sshll.u32 s1, $0xD;
	s1 =	sshrl.u32 s1, $0x2  }
0xcf: {  	s4 =	sand.u32 $0x4000, s31;
	s1 =	sadd.s32 s1, s30  }
0xd0: {  	s0 =	sor.u32 s4, s0;
	s1 =	sshll.u32 s1, $0x11  }
0xd1: {  	s0 =	sor.u32 s1, s0  }
0xd2: {  	s0 =	sadd.s32 $0x8F2B, s0  }
0xd3: {  	[sflag:s0] =	ssyncadd.remote.s32 $0x1  }
0xd4: {  	_ =	sfence.sel $0xFFFF  }
0xd5: {  	[dreg:$0x0] =	wrdreg $0xFFFFFFFF;
	(pc) =	sbr.abs _section_cstart, $3  }
0xd6: {  	[dreg:$0x1] =	wrdreg $0xFFFFFFFF  }
0xd7: {  	_ =	task.clear_ibuf [dreg:s22], $0x2FFFF;
	_ =	strace $0x9FFFFFFF  }
0xd8: {  	(tm) =	ssettm $0x7FFFFFFF  }
0xd9: {  	_ =	shalt  }
tec
execute0_lowered:
.L_overlay_start_1:
0x0: {  	(tag) =	ssettag $0x1  }
0x1: {  	s1 =	rddreg [dreg:$0x0]  }
0x2: {  	s4 =	rddreg [dreg:$0x1];
	s2 =	srdreg.scid  }
0x3: {  	s0 =	stileid.u32;
	s5 =	rddreg [dreg:$0x2]  }
0x4: {  	s3 =	simm.s32 $0x0;
	s9 =	simm.s32 $0x2;
	s10 =	simm.s32 $0x3  }
0x5: {  	s11 =	simm.s32 $0x0;
	s6 =	sand.u32 $0x1, s2;
	s7 =	sshll.u32 s0, $0x1  }
0x6: {  	s2 =	rddreg [dreg:$0x3];
	s7 =	sor.u32 s6, s7;
	s6 =	ssub.s32 $0x2, s6  }
0x7: {  	[smem:$0x7FF] =	sst s3;
	s8 =	smul.u32 $0x30D4, s7;
	s31 =	sshrl.u32 s6, $0x1  }
0x8: {  	_ =	strace $0x8000004A;
	s7 =	sshll.u32 s7, $0xB;
	s6 =	ssub.s32 s6, s31  }
0x9: {  	s5 =	sadd.s32 s5, s7;
	s7 =	simm.s32 $0x4000;
	s4 =	sadd.s32 s8, s4  }
0xa: {  	s6 =	smax.u32 s6, $0x1;
	s8 =	simm.s32 $0x1;
	s4 =	sadd.s32 $0x63600, s4  }
.LBB2_1:
0xb: {  	[tilespmem:s3], [sflag:$0x1] =	stream.linear.gather [hbm4b:s1+s3], $0x4000, $0x38;
	[tilespmem:$0x1C6A0] =	vst v63  }
0xc: {  	_ = 	snop  }
0xd: {  	[tilespmem:s7], [sflag:$0x2] =	stream.linear.gather [hbm4b:s4+s3], $0x186A0, $0x38;
	[tilespmem:$0x1C6A0] =	vst v63  }
0xe: {  	_ =	swait.ge [sflag:s8], $0x4000  }
0xf: {  	[sflag:s8] =	ssyncset.done $0x0  }
0x10: {  	[sflag:s8] =	ssyncadd.s32 $0xFFFFC000  }
0x11: {  	_ =	swait.ge [sflag:s9], $0x186A0  }
0x12: {  	[sflag:s9] =	ssyncset.done $0x0  }
0x13: {  	s12 =	simm.s32 $0x80;
	[sflag:s9] =	ssyncadd.s32 $0xFFFE7960  }
0x14: {  	v0 =	vld [tilespmem:s12+$0x70]  }
0x15: {  	v1 =	vld [tilespmem:s12+$0xFFFFFF90]  }
0x16: {  	v2 =	vld [tilespmem:s12+$0xFFFFFFA0]  }
0x17: {  	v3 =	vld [tilespmem:s12+$0xFFFFFFB0]  }
0x18: {  	v4 =	vld [tilespmem:s12+$0xFFFFFFC0]  }
0x19: {  	v5 =	vld [tilespmem:s12+$0xFFFFFFD0]  }
0x1a: {  	v6 =	vld [tilespmem:s12+$0xFFFFFFE0]  }
0x1b: {  	v7 =	vld [tilespmem:s12+$0xFFFFFFF0]  }
0x1c: {  	v8 =	vld [tilespmem:s12+$0x0]  }
0x1d: {  	v9 =	vld [tilespmem:s12+$0x10]  }
0x1e: {  	v10 =	vld [tilespmem:s12+$0x20]  }
0x1f: {  	v11 =	vld [tilespmem:s12+$0x30]  }
0x20: {  	v12 =	vld [tilespmem:s12+$0x40]  }
0x21: {  	v13 =	vld [tilespmem:s12+$0x50]  }
0x22: {  	v14 =	vld [tilespmem:s12+$0x60]  }
0x23: {  	v15 =	vld [tilespmem:s12+$0xFFFFFF80]  }
0x24: {  	v0 =	vld.idx.msk [tilespmem:v0+s7+$0x0], $0xffff  }
0x25: {  	v1 =	vld.idx.msk [tilespmem:v1+s7+$0x0], $0xffff  }
0x26: {  	v2 =	vld.idx.msk [tilespmem:v2+s7+$0x0], $0xffff  }
0x27: {  	v3 =	vld.idx.msk [tilespmem:v3+s7+$0x0], $0xffff  }
0x28: {  	v4 =	vld.idx.msk [tilespmem:v4+s7+$0x0], $0xffff  }
0x29: {  	v5 =	vld.idx.msk [tilespmem:v5+s7+$0x0], $0xffff  }
0x2a: {  	v6 =	vld.idx.msk [tilespmem:v6+s7+$0x0], $0xffff;
	[tilespmem:s12+$0x70] =	vst v0  }
0x2b: {  	v7 =	vld.idx.msk [tilespmem:v7+s7+$0x0], $0xffff;
	[tilespmem:s12+$0xFFFFFF90] =	vst v1  }
0x2c: {  	v15 =	vld.idx.msk [tilespmem:v15+s7+$0x0], $0xffff;
	[tilespmem:s12+$0xFFFFFFA0] =	vst v2  }
0x2d: {  	v8 =	vld.idx.msk [tilespmem:v8+s7+$0x0], $0xffff;
	[tilespmem:s12+$0xFFFFFFB0] =	vst v3  }
0x2e: {  	[tilespmem:s12+$0xFFFFFFC0] =	vst v4;
	v0 =	vld.idx.msk [tilespmem:v9+s7+$0x0], $0xffff  }
0x2f: {  	[tilespmem:s12+$0xFFFFFFD0] =	vst v5;
	v1 =	vld.idx.msk [tilespmem:v10+s7+$0x0], $0xffff  }
0x30: {  	[tilespmem:s12+$0xFFFFFFE0] =	vst v6;
	v2 =	vld.idx.msk [tilespmem:v11+s7+$0x0], $0xffff  }
0x31: {  	[tilespmem:s12+$0xFFFFFFF0] =	vst v7;
	v3 =	vld.idx.msk [tilespmem:v12+s7+$0x0], $0xffff  }
0x32: {  	[tilespmem:s12+$0xFFFFFF80] =	vst v15;
	v4 =	vld.idx.msk [tilespmem:v13+s7+$0x0], $0xffff  }
0x33: {  	s13 =	simm.s32 $0x0;
	s14 =	simm.s32 $0x180;
	[tilespmem:s12+$0x0] =	vst v8;
	v5 =	vld.idx.msk [tilespmem:v14+s7+$0x0], $0xffff  }
.LBB2_2:
0x34: {  	v6 =	vld [tilespmem:s14+$0x70];
	s13 =	sadd.s32 $0x10, s13;
	[tilespmem:s12+$0x10] =	vst v0  }
0x35: {  	v0 =	vld [tilespmem:s14+$0xFFFFFF90];
	p0 =	slt.u32 s13, $0x3F0;
	[tilespmem:s12+$0x20] =	vst v1  }
0x36: {  	v1 =	vld [tilespmem:s14+$0xFFFFFFA0];
	[tilespmem:s12+$0x30] =	vst v2  }
0x37: {  	v2 =	vld [tilespmem:s14+$0xFFFFFFB0];
	[tilespmem:s12+$0x40] =	vst v3  }
0x38: {  	v3 =	vld [tilespmem:s14+$0xFFFFFFC0];
	[tilespmem:s12+$0x50] =	vst v4  }
0x39: {  	v4 =	vld [tilespmem:s14+$0xFFFFFFD0];
	[tilespmem:s12+$0x60] =	vst v5;
	s12 =	smov.u32 s14  }
0x3a: {  	v5 =	vld [tilespmem:s14+$0xFFFFFFE0]  }
0x3b: {  	v7 =	vld [tilespmem:s14+$0xFFFFFFF0]  }
0x3c: {  	v6 =	vld.idx.msk [tilespmem:v6+s7+$0x0], $0xffff  }
0x3d: {  	v8 =	vld [tilespmem:s14+$0x0]  }
0x3e: {  	v9 =	vld [tilespmem:s14+$0x10]  }
0x3f: {  	v10 =	vld [tilespmem:s14+$0x20]  }
0x40: {  	v11 =	vld [tilespmem:s14+$0x30]  }
0x41: {  	v12 =	vld [tilespmem:s14+$0x40]  }
0x42: {  	v13 =	vld [tilespmem:s14+$0x50];
	[tilespmem:s14+$0x70] =	vst v6  }
0x43: {  	v6 =	vld [tilespmem:s14+$0x60]  }
0x44: {  	v14 =	vld [tilespmem:s14+$0xFFFFFF80]  }
0x45: {  	v0 =	vld.idx.msk [tilespmem:v0+s7+$0x0], $0xffff  }
0x46: {  	v1 =	vld.idx.msk [tilespmem:v1+s7+$0x0], $0xffff  }
0x47: {  	v2 =	vld.idx.msk [tilespmem:v2+s7+$0x0], $0xffff  }
0x48: {  	v3 =	vld.idx.msk [tilespmem:v3+s7+$0x0], $0xffff  }
0x49: {  	v4 =	vld.idx.msk [tilespmem:v4+s7+$0x0], $0xffff  }
0x4a: {  	v5 =	vld.idx.msk [tilespmem:v5+s7+$0x0], $0xffff  }
0x4b: {  	[tilespmem:s14+$0xFFFFFF90] =	vst v0;
	v7 =	vld.idx.msk [tilespmem:v7+s7+$0x0], $0xffff  }
0x4c: {  	v14 =	vld.idx.msk [tilespmem:v14+s7+$0x0], $0xffff;
	[tilespmem:s14+$0xFFFFFFA0] =	vst v1  }
0x4d: {  	[tilespmem:s14+$0xFFFFFFB0] =	vst v2;
	v8 =	vld.idx.msk [tilespmem:v8+s7+$0x0], $0xffff  }
0x4e: {  	[tilespmem:s14+$0xFFFFFFC0] =	vst v3;
	v0 =	vld.idx.msk [tilespmem:v9+s7+$0x0], $0xffff  }
.Ltmp0:
0x4f: {  	[tilespmem:s14+$0xFFFFFFD0] =	vst v4;
	v1 =	vld.idx.msk [tilespmem:v10+s7+$0x0], $0xffff;
	(pc) =	sbr.rel @p0 .LBB2_2-.Ltmp0, $4  }
0x50: {  	[tilespmem:s14+$0xFFFFFFE0] =	vst v5;
	v2 =	vld.idx.msk [tilespmem:v11+s7+$0x0], $0xffff  }
0x51: {  	[tilespmem:s14+$0xFFFFFFF0] =	vst v7;
	v3 =	vld.idx.msk [tilespmem:v12+s7+$0x0], $0xffff  }
0x52: {  	[tilespmem:s14+$0xFFFFFF80] =	vst v14;
	v4 =	vld.idx.msk [tilespmem:v13+s7+$0x0], $0xffff  }
0x53: {  	s14 =	sadd.s32 $0x100, s14;
	[tilespmem:s12+$0x0] =	vst v8;
	v5 =	vld.idx.msk [tilespmem:v6+s7+$0x0], $0xffff  }
0x54: {  	[tilespmem:s12+$0x10] =	vst v0  }
0x55: {  	[tilespmem:s12+$0x20] =	vst v1  }
0x56: {  	[tilespmem:s12+$0x30] =	vst v2  }
0x57: {  	s11 =	sadd.s32 $0x1, s11;
	[tilespmem:s12+$0x40] =	vst v3  }
0x58: {  	p0 =	sne.s32 s11, s6;
	[tilespmem:s12+$0x50] =	vst v4  }
.Ltmp1:
0x59: {  	[tilespmem:s12+$0x60] =	vst v5;
	(pc) =	sbr.rel @p0 .LBB2_1-.Ltmp1, $4  }
0x5a: {  	[hbm4b:s5+s3] =	stream.linear.scatter [tilespmem:s3], [sflag:$0x3], $0x4000, $0x38;
	[tilespmem:$0x1C6A0] =	vst v63  }
0x5b: {  	_ =	swait.ge [sflag:s10], $0x4000  }
0x5c: {  	[sflag:s10] =	ssyncset.done $0x0  }
0x5d: {  	[sflag:s10] =	ssyncadd.s32 $0xFFFFC000  }
0x5e: {  	_ =	sfence.sel $0x180000  }
0x5f: {  	[bflag:$0x0] =	sbarrier.arrive $0xFFFF  }
0x60: {  	p0 =	sne.s32 s0, $0x0;
	_ =	strace $0x9000004A  }
0x61: {  	s0 =	sadd.s32 @!p0 $0x100000, s2;
	[bflag:$0x2] =	sbarrier.arrive $0xFFFF  }
0x62: {  	[sflag:s0] =	ssyncadd.tile.s32 @!p0 $0x1;
	_ =	shalt  }
.Lfunc_end2:
_tile_overlayer_lowered:
.L_overlay_start_2:
0x63: {  	(tag) =	ssettag $0x2  }
0x64: {  	s0 =	rddreg [dreg:$0x0];
	s2 =	stileid.u32  }
0x65: {  	s1 =	rddreg [dreg:$0x1];
	p0 =	sne.s32 s2, $0x0  }
0x66: {  	s3 =	rddreg [dreg:$0x2];
	[bflag:$0x3] =	sbarrier.arrive $0xFFFF;
	s2 =	simm.s32 @!p0 $0x1C03  }
0x67: {  	[timem:s3], [sflag:s2] =	dma.local @!p0 [hbm:s0], s1  }
0x68: {  	s0 =	simm.s32 @!p0 $0x3  }
0x69: {  	_ =	swait.ge @!p0 [sflag:s0], s1  }
0x6a: {  	s1 =	ssub.s32 @!p0 $0x0, s1;
	[sflag:s0] =	ssyncset.done @!p0 $0x0  }
0x6b: {  	[sflag:s0] =	ssyncadd.s32 @!p0 s1  }
0x6c: {  	[bflag:$0x3] =	sbarrier.arrive $0xFFFF  }
0x6d: {  	_ =	shalt  }

</sc_bundles>
